<compile_context>
chip_gen: v7x
topology: tpu7x:2x2x1
jax: 0.10.2.dev20260603
libtpu: 0.0.44.dev20260713+nightly
codegen_flags: <defaults>
</compile_context>

<pallas_src>
import functools

import jax
import jax.numpy as jnp
from jax import lax
from jax.experimental import pallas as pl
from jax.experimental.pallas import tpu as pltpu
from jax.experimental.pallas import tpu_sc as plsc

K_NEIGHBORS = 16
MIN_CLUSTER_SIZE = 8

_B, _N, _D = 8, 2048, 256
_ROWS = 512


def _topk_body(feat_rows_ref, feat_all_ref, knn_ref):
    a = feat_rows_ref[0]
    bm = feat_all_ref[0]
    sim = lax.dot_general(a, bm, (((1,), (1,)), ((), ())),
                          preferred_element_type=jnp.float32)
    n = sim.shape[1]
    col = lax.broadcasted_iota(jnp.int32, sim.shape, 1)
    neg = jnp.float32(-jnp.inf)
    idxs = []
    m = jnp.max(sim, axis=1, keepdims=True)
    for t in range(K_NEIGHBORS + 1):
        key = jnp.where(sim == m, col, n)
        idx = jnp.min(key, axis=1)
        if t >= 1:
            idxs.append(idx)
        if t < K_NEIGHBORS:
            sim = jnp.where(col == idx[:, None], neg, sim)
            m = jnp.max(sim, axis=1, keepdims=True)
    knn_ref[0] = jnp.stack(idxs, axis=1)


def _knn_topk(features):
    grid = (_B, _N // _ROWS)
    return pl.pallas_call(
        _topk_body,
        grid=grid,
        in_specs=[
            pl.BlockSpec((1, _ROWS, _D), lambda b, r: (b, r, 0)),
            pl.BlockSpec((1, _N, _D), lambda b, r: (b, 0, 0)),
        ],
        out_specs=pl.BlockSpec((1, _ROWS, K_NEIGHBORS), lambda b, r: (b, r, 0)),
        out_shape=jax.ShapeDtypeStruct((_B, _N, K_NEIGHBORS), jnp.int32),
        compiler_params=pltpu.CompilerParams(
            dimension_semantics=("parallel", "arbitrary")),
    )(features, features)


def _bfs_clusters(knn):
    B, N, K = knn.shape
    M = MIN_CLUSTER_SIZE
    L = 16
    info = plsc.get_sparse_core_info()
    nc = info.num_cores

    mesh = plsc.VectorSubcoreMesh(core_axis_name="c", subcore_axis_name="s")
    knn_flat = knn.reshape(B, N * K)

    @functools.partial(
        pl.kernel,
        mesh=mesh,
        out_type=jax.ShapeDtypeStruct((B, N), jnp.int32),
        scratch_types=[
            pltpu.VMEM((N * K,), jnp.int32),
            pltpu.VMEM((N,), jnp.int32),
            pltpu.VMEM((N,), jnp.int32),
            pltpu.VMEM((L,), jnp.int32),
        ],
        compiler_params=pltpu.CompilerParams(needs_layout_passes=False),
    )
    def bfs(knn_hbm, out_hbm, knn_v, vis_v, cid_v, clus_v):
        wid = lax.axis_index("s") * nc + lax.axis_index("c")

        @pl.when(wid < B)
        def _():
            pltpu.sync_copy(knn_hbm.at[wid], knn_v)
            zeros = jnp.zeros((L,), jnp.int32)
            ones = jnp.ones((L,), jnp.int32)
            negs = jnp.full((L,), -1, jnp.int32)
            lane = lax.broadcasted_iota(jnp.int32, (L,), 0)
            lane0 = lane == 0

            def init_body(i, c):
                vis_v[pl.ds(i * L, L)] = zeros
                cid_v[pl.ds(i * L, L)] = negs
                return c

            lax.fori_loop(0, N // L, init_body, 0)

            def outer(i, cid_ctr):
                ivec = jnp.full((L,), i, jnp.int32)
                already = plsc.load_gather(vis_v, [ivec])[0]

                def run_bfs(ctr):
                    plsc.store_scatter(vis_v, [ivec], ones, mask=lane0)
                    clus_v[pl.ds(0, L)] = ivec

                    def w_cond(st):
                        head, count = st
                        return (head < count) & (count < M)

                    def w_body(st):
                        head, count = st
                        cur = plsc.load_gather(
                            clus_v, [jnp.full((L,), head, jnp.int32)])[0]
                        nbrs = plsc.load_gather(knn_v, [cur * K + lane])
                        seen = plsc.load_gather(vis_v, [nbrs])
                        avail = seen == 0
                        pr = plsc.cumsum(avail.astype(jnp.int32))
                        take = avail & (pr <= (M - count))
                        plsc.store_scatter(vis_v, [nbrs], ones, mask=take)
                        plsc.store_scatter(clus_v, [count + pr - 1], nbrs,
                                           mask=take)
                        ntake = jnp.minimum(jnp.sum(avail.astype(jnp.int32)),
                                            M - count)
                        return (head + 1, count + ntake)

                    _, count = lax.while_loop(w_cond, w_body,
                                              (jnp.int32(0), jnp.int32(1)))

                    def do_assign(c):
                        members = clus_v[pl.ds(0, L)]
                        plsc.store_scatter(cid_v, [members],
                                           jnp.full((L,), c, jnp.int32),
                                           mask=lane < count)
                        return c + 1

                    return lax.cond(count >= 3, do_assign, lambda c: c, ctr)

                return lax.cond(already == 0, run_bfs, lambda c: c, cid_ctr)

            lax.fori_loop(0, N, outer, jnp.int32(0))
            pltpu.sync_copy(cid_v, out_hbm.at[wid])

    return bfs(knn_flat)


def kernel(features):
    knn_indices = _knn_topk(features)
    cluster_id = _bfs_clusters(knn_indices)
    return (cluster_id, knn_indices)

# --- scband reference (transcript-rebuilt; emitter-appended) ---
"""Pipeline reference for scband-semantic-clustering-module-4002909520150 (READ-ONLY COPY).

The authoritative reference and input builder live on the scoring server;
editing this copy changes nothing except your own understanding.
"""

import jax, jax.numpy as jnp
import numpy as np

K_NEIGHBORS = 16
MIN_CLUSTER_SIZE = 8


def setup_inputs(seed: int = 0) -> dict:
    key = jax.random.key(seed)
    features = jax.random.normal(key, (8, 2048, 256), dtype=jnp.float32)
    return {"features": features}


def _form_semantic_clusters(knn_np, min_cluster_size):
    B, N, K = knn_np.shape
    cluster_id = np.full((B, N), -1, dtype=np.int32)
    for b in range(B):
        visited = np.zeros(N, dtype=bool)
        cid = 0
        for i in range(N):
            if visited[i]:
                continue
            cluster = [i]
            queue = [i]
            visited[i] = True
            while queue:
                current = queue.pop(0)
                neighbors = knn_np[b, current]
                for neighbor in neighbors:
                    n = int(neighbor)
                    if not visited[n]:
                        cluster.append(n)
                        queue.append(n)
                        visited[n] = True
                        if len(cluster) >= min_cluster_size:
                            break
                if len(cluster) >= min_cluster_size:
                    break
            if len(cluster) >= 3:
                cluster_id[b, np.asarray(cluster, dtype=np.int64)] = cid
                cid += 1
    return cluster_id


def reference(features):
    # compute_semantic_knn: bmm similarity + top-(k+1), drop self
    sim = jnp.einsum('bnd,bmd->bnm', features, features)
    _, knn_indices = jax.lax.top_k(sim, K_NEIGHBORS + 1)
    knn_indices = knn_indices[:, :, 1:]
    # form_semantic_clusters: fixed-shape in-graph BFS. The cluster buffer is
    # bounded by MIN_CLUSTER_SIZE (the original breaks once the cluster reaches
    # that size), and the FIFO queue is exactly the unprocessed suffix of the
    # cluster buffer, so a head pointer reproduces queue.pop(0) semantics.
    B, N, K = knn_indices.shape
    M = MIN_CLUSTER_SIZE

    def per_batch(knn_b):
        def outer(i, carry):
            visited, cluster_id, cid = carry
            already = visited[i]
            vis0 = visited.at[i].set(True)
            cluster0 = jnp.full((M,), N, dtype=jnp.int32).at[0].set(i)

            def cond_fn(state):
                head, count, cluster, vis = state
                return (head < count) & (count < M)

            def body_fn(state):
                head, count, cluster, vis = state
                current = cluster[head]
                nbrs = knn_b[current]

                def nb(c, nbr):
                    count, cluster, vis = c
                    take = (~vis[nbr]) & (count < M)
                    vis = vis.at[nbr].set(vis[nbr] | take)
                    slot = jnp.minimum(count, M - 1)
                    cluster = jnp.where(take, cluster.at[slot].set(nbr), cluster)
                    count = count + take.astype(jnp.int32)
                    return (count, cluster, vis), None

                (count, cluster, vis), _ = jax.lax.scan(nb, (count, cluster, vis), nbrs)
                return (head + 1, count, cluster, vis)

            head, count, cluster, vis = jax.lax.while_loop(
                cond_fn, body_fn, (jnp.int32(0), jnp.int32(1), cluster0, vis0)
            )
            assign = (count >= 3) & (~already)
            pos = jnp.arange(M, dtype=jnp.int32)
            idx = jnp.where(assign & (pos < count), cluster, N)
            cluster_id_bfs = cluster_id.at[idx].set(cid, mode='drop')
            visited_new = jnp.where(already, visited, vis)
            cluster_id_new = jnp.where(already, cluster_id, cluster_id_bfs)
            cid_new = cid + assign.astype(jnp.int32)
            return (visited_new, cluster_id_new, cid_new)

        init = (
            jnp.zeros((N,), dtype=bool),
            jnp.full((N,), -1, dtype=jnp.int32),
            jnp.int32(0),
        )
        _, cluster_id, _ = jax.lax.fori_loop(0, N, outer, init)
        return cluster_id

    cluster_id = jax.vmap(per_batch)(knn_indices)
    return (cluster_id, knn_indices)

if __name__ == "__main__":
    import jax
    _d = setup_inputs()
    print(jax.jit(kernel)(*tuple(_d.values())))

</pallas_src>

<mosaic_0001>
#map = affine_map<(d0, d1) -> (0, 0)>
module attributes {stable_mosaic.version = 14 : i64} {
  func.func @bfs(%arg0: i32, %arg1: i32, %arg2: memref<8x32768xi32, #tpu.memory_space<hbm>>, %arg3: memref<8x2048xi32, #tpu.memory_space<hbm>>, %arg4: memref<32768xi32, #tpu.memory_space<vmem>>, %arg5: memref<2048xi32, #tpu.memory_space<vmem>>, %arg6: memref<2048xi32, #tpu.memory_space<vmem>>, %arg7: memref<16xi32, #tpu.memory_space<vmem>>) attributes {dimension_semantics = [#tpu.dimension_semantics<core_parallel>, #tpu.dimension_semantics<subcore_parallel>], iteration_bounds = array<i64: 2, 16>, scalar_prefetch = 0 : i64, scratch_operands = 4 : i64, tpu.core_type = #tpu.core_type<sc_vector_subcore>, window_params = [{transform_indices = #map}, {transform_indices = #map}]} {
    %mul3A = arith.constant 2 : i32
    %mul3A_0 = arith.muli %arg1, %mul3A : i32
    %add3A = arith.addi %mul3A_0, %arg0 : i32
    %lt3A = arith.constant 8 : i32
    %lt3A_1 = arith.cmpi slt, %add3A, %lt3A : i32
    %convert_element_type3A = arith.extui %lt3A_1 : i1 to i32
    %cond3A = arith.constant 0 : i32
    %cond3A_2 = arith.cmpi ne, %convert_element_type3A, %cond3A : i32
    scf.if %cond3A_2 {
      "tpu.region"() ({
        %run_scoped3A = tpu.sem_alloc : memref<!tpu.dma_semaphore, #tpu.memory_space<semaphore_mem>>
        %dma_start3A = arith.constant 0 : i32
        %dma_start3A_22 = tpu.memref_slice %arg2[%add3A, %dma_start3A] : memref<8x32768xi32, #tpu.memory_space<hbm>> -> memref<1x32768xi32, #tpu.memory_space<hbm>>
        %dma_start3A_23 = tpu.memref_squeeze %dma_start3A_22 : memref<1x32768xi32, #tpu.memory_space<hbm>> -> memref<32768xi32, #tpu.memory_space<hbm>>
        %dma_start3A_24 = arith.constant 0 : i32
        %dma_start3A_25 = tpu.memref_slice %arg2[%add3A, %dma_start3A_24] : memref<8x32768xi32, #tpu.memory_space<hbm>> -> memref<1x32768xi32, #tpu.memory_space<hbm>>
        %dma_start3A_26 = tpu.memref_squeeze %dma_start3A_25 : memref<1x32768xi32, #tpu.memory_space<hbm>> -> memref<32768xi32, #tpu.memory_space<hbm>>
        tpu.enqueue_dma source(%dma_start3A_26 : memref<32768xi32, #tpu.memory_space<hbm>>) target(%arg4 : memref<32768xi32, #tpu.memory_space<vmem>>) target_semaphore(%run_scoped3A : memref<!tpu.dma_semaphore, #tpu.memory_space<semaphore_mem>>)
        %dma_wait3A = arith.constant 0 : i32
        %dma_wait3A_27 = tpu.memref_slice %arg2[%add3A, %dma_wait3A] : memref<8x32768xi32, #tpu.memory_space<hbm>> -> memref<1x32768xi32, #tpu.memory_space<hbm>>
        %dma_wait3A_28 = tpu.memref_squeeze %dma_wait3A_27 : memref<1x32768xi32, #tpu.memory_space<hbm>> -> memref<32768xi32, #tpu.memory_space<hbm>>
        %dma_wait3A_29 = arith.constant 0 : i32
        %dma_wait3A_30 = tpu.memref_slice %arg2[%add3A, %dma_wait3A_29] : memref<8x32768xi32, #tpu.memory_space<hbm>> -> memref<1x32768xi32, #tpu.memory_space<hbm>>
        %dma_wait3A_31 = tpu.memref_squeeze %dma_wait3A_30 : memref<1x32768xi32, #tpu.memory_space<hbm>> -> memref<32768xi32, #tpu.memory_space<hbm>>
        tpu.wait_dma2 semaphore(%run_scoped3A : memref<!tpu.dma_semaphore, #tpu.memory_space<semaphore_mem>>) src(%dma_wait3A_31 : memref<32768xi32, #tpu.memory_space<hbm>>) dst(%arg4 : memref<32768xi32, #tpu.memory_space<vmem>>)
        tpu.yield
      }) : () -> ()
      %broadcast_in_dim3A = arith.constant 0 : i32
      %broadcast_in_dim3A_3 = vector.broadcast %broadcast_in_dim3A : i32 to vector<16xi32>
      %broadcast_in_dim3A_4 = arith.constant 1 : i32
      %broadcast_in_dim3A_5 = vector.broadcast %broadcast_in_dim3A_4 : i32 to vector<16xi32>
      %broadcast_in_dim3A_6 = arith.constant -1 : i32
      %broadcast_in_dim3A_7 = vector.broadcast %broadcast_in_dim3A_6 : i32 to vector<16xi32>
      %iota3A = tpu.iota {dimensions = array<i32: 0>} : vector<16xi32>
      %eq3A = arith.constant 0 : i32
      %eq3A_8 = vector.broadcast %eq3A : i32 to vector<16xi32>
      %eq3A_9 = arith.cmpi eq, %iota3A, %eq3A_8 : vector<16xi32>
      %scan3A = arith.constant 0 : i32
      %scan3A_10 = arith.constant 0 : i32
      %scan3A_11 = arith.constant 128 : i32
      %scan3A_12 = arith.addi %scan3A_10, %scan3A_11 : i32
      %scan3A_13 = arith.constant 1 : i32
      scf.for %scan3A_22 = %scan3A_10 to %scan3A_12 step %scan3A_13  : i32 {
        %mul3A_23 = arith.constant 16 : i32
        %mul3A_24 = arith.muli %scan3A_22, %mul3A_23 : i32
        %swap3A = arith.index_cast %mul3A_24 : i32 to index
        %swap3A_25 = tpu.vector_load %arg5[%swap3A] {strides = array<i32>} : memref<2048xi32, #tpu.memory_space<vmem>>, vector<16xi32>,
        tpu.vector_store %arg5[%swap3A], %broadcast_in_dim3A_3 {strides = array<i32>} : memref<2048xi32, #tpu.memory_space<vmem>>, vector<16xi32>,
        %mul3A_26 = arith.constant 16 : i32
        %mul3A_27 = arith.muli %scan3A_22, %mul3A_26 : i32
        %swap3A_28 = arith.index_cast %mul3A_27 : i32 to index
        %swap3A_29 = tpu.vector_load %arg6[%swap3A_28] {strides = array<i32>} : memref<2048xi32, #tpu.memory_space<vmem>>, vector<16xi32>,
        tpu.vector_store %arg6[%swap3A_28], %broadcast_in_dim3A_7 {strides = array<i32>} : memref<2048xi32, #tpu.memory_space<vmem>>, vector<16xi32>,
      }
      %scan3A_14 = arith.constant 128 : i32
      %scan3A_15 = arith.constant 0 : i32
      %scan3A_16 = arith.constant 0 : i32
      %scan3A_17 = arith.constant 2048 : i32
      %scan3A_18 = arith.addi %scan3A_16, %scan3A_17 : i32
      %scan3A_19 = arith.constant 1 : i32
      %scan3A_20 = scf.for %scan3A_22 = %scan3A_16 to %scan3A_18 step %scan3A_19 iter_args(%scan3A_23 = %scan3A_15) -> (i32)  : i32 {
        %broadcast_in_dim3A_24 = vector.broadcast %scan3A_22 : i32 to vector<16xi32>
        %gather3A = tpu.vector_load_idx %arg5[%broadcast_in_dim3A_24] : memref<2048xi32, #tpu.memory_space<vmem>>[vector<16xi32>], vector<16xi32>,
        %slice3A = vector.extract_strided_slice %gather3A {offsets = [0], sizes = [1], strides = [1]} : vector<16xi32> to vector<1xi32>
        %squeeze3A = vector.extract %slice3A[0] : i32 from vector<1xi32>
        %eq3A_25 = arith.constant 0 : i32
        %eq3A_26 = arith.cmpi eq, %squeeze3A, %eq3A_25 : i32
        %convert_element_type3A_27 = arith.extui %eq3A_26 : i1 to i32
        %cond3A_28 = arith.constant 0 : i32
        %cond3A_29 = arith.cmpi ne, %convert_element_type3A_27, %cond3A_28 : i32
        %cond3A_30 = scf.if %cond3A_29 -> (i32) {
          tpu.vector_store_idx %arg5[%broadcast_in_dim3A_24], %broadcast_in_dim3A_5 masked %eq3A_9 : memref<2048xi32, #tpu.memory_space<vmem>>[vector<16xi32>], vector<16xi32>, vector<16xi1>
          %swap3A = arith.constant 0 : index
          %swap3A_31 = tpu.vector_load %arg7[%swap3A] {strides = array<i32>} : memref<16xi32, #tpu.memory_space<vmem>>, vector<16xi32>,
          tpu.vector_store %arg7[%swap3A], %broadcast_in_dim3A_24 {strides = array<i32>} : memref<16xi32, #tpu.memory_space<vmem>>, vector<16xi32>,
          %while3A = arith.constant 0 : i32
          %while3A_32 = arith.constant 1 : i32
          %while3A_33:2 = scf.while (%while3A_39 = %while3A, %while3A_40 = %while3A_32) : (i32, i32) -> (i32, i32) {
            %lt3A_41 = arith.cmpi slt, %while3A_39, %while3A_40 : i32
            %lt3A_42 = arith.constant 8 : i32
            %lt3A_43 = arith.cmpi slt, %while3A_40, %lt3A_42 : i32
            %and3A = arith.andi %lt3A_41, %lt3A_43 : i1
            scf.condition(%and3A) %while3A_39, %while3A_40 : i32, i32
          } do {
          ^bb0(%while3A_39: i32, %while3A_40: i32):
            %broadcast_in_dim3A_41 = vector.broadcast %while3A_39 : i32 to vector<16xi32>
            %gather3A_42 = tpu.vector_load_idx %arg7[%broadcast_in_dim3A_41] : memref<16xi32, #tpu.memory_space<vmem>>[vector<16xi32>], vector<16xi32>,
            %slice3A_43 = vector.extract_strided_slice %gather3A_42 {offsets = [0], sizes = [1], strides = [1]} : vector<16xi32> to vector<1xi32>
            %squeeze3A_44 = vector.extract %slice3A_43[0] : i32 from vector<1xi32>
            %mul3A_45 = arith.constant 16 : i32
            %mul3A_46 = arith.muli %squeeze3A_44, %mul3A_45 : i32
            %add3A_47 = vector.broadcast %mul3A_46 : i32 to vector<16xi32>
            %add3A_48 = arith.addi %add3A_47, %iota3A : vector<16xi32>
            %gather3A_49 = tpu.vector_load_idx %arg4[%add3A_48] : memref<32768xi32, #tpu.memory_space<vmem>>[vector<16xi32>], vector<16xi32>,
            %gather3A_50 = tpu.vector_load_idx %arg5[%gather3A_49] : memref<2048xi32, #tpu.memory_space<vmem>>[vector<16xi32>], vector<16xi32>,
            %eq3A_51 = arith.constant 0 : i32
            %eq3A_52 = vector.broadcast %eq3A_51 : i32 to vector<16xi32>
            %eq3A_53 = arith.cmpi eq, %gather3A_50, %eq3A_52 : vector<16xi32>
            %convert_element_type3A_54 = arith.extui %eq3A_53 : vector<16xi1> to vector<16xi32>
            %broadcast_in_dim3A_55 = arith.constant true
            %broadcast_in_dim3A_56 = vector.broadcast %broadcast_in_dim3A_55 : i1 to vector<16xi1>
            %masked_cumsum3A = tpu.scan <sum>, %convert_element_type3A_54 masked %broadcast_in_dim3A_56 : vector<16xi32>, vector<16xi1> -> vector<16xi32>
            %sub3A = arith.constant 8 : i32
            %sub3A_57 = arith.subi %sub3A, %while3A_40 : i32
            %le3A = vector.broadcast %sub3A_57 : i32 to vector<16xi32>
            %le3A_58 = arith.cmpi sle, %masked_cumsum3A, %le3A : vector<16xi32>
            %and3A = arith.andi %eq3A_53, %le3A_58 : vector<16xi1>
            tpu.vector_store_idx %arg5[%gather3A_49], %broadcast_in_dim3A_5 masked %and3A : memref<2048xi32, #tpu.memory_space<vmem>>[vector<16xi32>], vector<16xi32>, vector<16xi1>
            %add3A_59 = vector.broadcast %while3A_40 : i32 to vector<16xi32>
            %add3A_60 = arith.addi %add3A_59, %masked_cumsum3A : vector<16xi32>
            %sub3A_61 = arith.constant 1 : i32
            %sub3A_62 = vector.broadcast %sub3A_61 : i32 to vector<16xi32>
            %sub3A_63 = arith.subi %add3A_60, %sub3A_62 : vector<16xi32>
            tpu.vector_store_idx %arg7[%sub3A_63], %gather3A_49 masked %and3A : memref<16xi32, #tpu.memory_space<vmem>>[vector<16xi32>], vector<16xi32>, vector<16xi1>
            %convert_element_type3A_64 = arith.extui %eq3A_53 : vector<16xi1> to vector<16xi32>
            %reduce_sum3A = arith.constant true
            %reduce_sum3A_65 = vector.broadcast %reduce_sum3A : i1 to vector<16xi1>
            %reduce_sum3A_66 = tpu.scan <sum>, %convert_element_type3A_64 masked %reduce_sum3A_65 : vector<16xi32>, vector<16xi1> -> vector<16xi32>
            %reduce_sum3A_67 = vector.extract %reduce_sum3A_66[15] : i32 from vector<16xi32>
            %sub3A_68 = arith.constant 8 : i32
            %sub3A_69 = arith.subi %sub3A_68, %while3A_40 : i32
            %min3A = arith.minsi %reduce_sum3A_67, %sub3A_69 : i32
            %add3A_70 = arith.constant 1 : i32
            %add3A_71 = arith.addi %while3A_39, %add3A_70 : i32
            %add3A_72 = arith.addi %while3A_40, %min3A : i32
            scf.yield %add3A_71, %add3A_72 : i32, i32
          }
          %ge3A = arith.constant 3 : i32
          %ge3A_34 = arith.cmpi sge, %while3A_33#1, %ge3A : i32
          %convert_element_type3A_35 = arith.extui %ge3A_34 : i1 to i32
          %cond3A_36 = arith.constant 0 : i32
          %cond3A_37 = arith.cmpi ne, %convert_element_type3A_35, %cond3A_36 : i32
          %cond3A_38 = scf.if %cond3A_37 -> (i32) {
            %get3A = arith.constant 0 : index
            %get3A_39 = tpu.vector_load %arg7[%get3A] {strides = array<i32>} : memref<16xi32, #tpu.memory_space<vmem>>, vector<16xi32>,
            %broadcast_in_dim3A_40 = vector.broadcast %scan3A_23 : i32 to vector<16xi32>
            %lt3A_41 = vector.broadcast %while3A_33#1 : i32 to vector<16xi32>
            %lt3A_42 = arith.cmpi slt, %iota3A, %lt3A_41 : vector<16xi32>
            tpu.vector_store_idx %arg6[%get3A_39], %broadcast_in_dim3A_40 masked %lt3A_42 : memref<2048xi32, #tpu.memory_space<vmem>>[vector<16xi32>], vector<16xi32>, vector<16xi1>
            %add3A_43 = arith.constant 1 : i32
            %add3A_44 = arith.addi %scan3A_23, %add3A_43 : i32
            scf.yield %add3A_44 : i32
          } else {
            scf.yield %scan3A_23 : i32
          }
          scf.yield %cond3A_38 : i32
        } else {
          scf.yield %scan3A_23 : i32
        }
        scf.yield %cond3A_30 : i32
      }
      %scan3A_21 = arith.constant 2048 : i32
      "tpu.region"() ({
        %run_scoped3A = tpu.sem_alloc : memref<!tpu.dma_semaphore, #tpu.memory_space<semaphore_mem>>
        %dma_start3A = arith.constant 0 : i32
        %dma_start3A_22 = tpu.memref_slice %arg3[%add3A, %dma_start3A] : memref<8x2048xi32, #tpu.memory_space<hbm>> -> memref<1x2048xi32, #tpu.memory_space<hbm>>
        %dma_start3A_23 = tpu.memref_squeeze %dma_start3A_22 : memref<1x2048xi32, #tpu.memory_space<hbm>> -> memref<2048xi32, #tpu.memory_space<hbm>>
        %dma_start3A_24 = arith.constant 0 : i32
        %dma_start3A_25 = tpu.memref_slice %arg3[%add3A, %dma_start3A_24] : memref<8x2048xi32, #tpu.memory_space<hbm>> -> memref<1x2048xi32, #tpu.memory_space<hbm>>
        %dma_start3A_26 = tpu.memref_squeeze %dma_start3A_25 : memref<1x2048xi32, #tpu.memory_space<hbm>> -> memref<2048xi32, #tpu.memory_space<hbm>>
        tpu.enqueue_dma source(%arg6 : memref<2048xi32, #tpu.memory_space<vmem>>) target(%dma_start3A_26 : memref<2048xi32, #tpu.memory_space<hbm>>) target_semaphore(%run_scoped3A : memref<!tpu.dma_semaphore, #tpu.memory_space<semaphore_mem>>)
        %dma_wait3A = arith.constant 0 : i32
        %dma_wait3A_27 = tpu.memref_slice %arg3[%add3A, %dma_wait3A] : memref<8x2048xi32, #tpu.memory_space<hbm>> -> memref<1x2048xi32, #tpu.memory_space<hbm>>
        %dma_wait3A_28 = tpu.memref_squeeze %dma_wait3A_27 : memref<1x2048xi32, #tpu.memory_space<hbm>> -> memref<2048xi32, #tpu.memory_space<hbm>>
        %dma_wait3A_29 = arith.constant 0 : i32
        %dma_wait3A_30 = tpu.memref_slice %arg3[%add3A, %dma_wait3A_29] : memref<8x2048xi32, #tpu.memory_space<hbm>> -> memref<1x2048xi32, #tpu.memory_space<hbm>>
        %dma_wait3A_31 = tpu.memref_squeeze %dma_wait3A_30 : memref<1x2048xi32, #tpu.memory_space<hbm>> -> memref<2048xi32, #tpu.memory_space<hbm>>
        tpu.wait_dma2 semaphore(%run_scoped3A : memref<!tpu.dma_semaphore, #tpu.memory_space<semaphore_mem>>) src(%arg6 : memref<2048xi32, #tpu.memory_space<vmem>>) dst(%dma_wait3A_31 : memref<2048xi32, #tpu.memory_space<hbm>>)
        tpu.yield
      }) : () -> ()
    } else {
    }
    return
  }
}

module attributes {stable_mosaic.version = 14 : i64} {
  func.func @_topk_body(%arg0: i32, %arg1: i32, %arg2: memref<1x512x256xf32, #tpu.memory_space<vmem>>, %arg3: memref<1x2048x256xf32, #tpu.memory_space<vmem>>, %arg4: memref<1x512x16xi32, #tpu.memory_space<vmem>>) attributes {dimension_semantics = [#tpu.dimension_semantics<parallel>, #tpu.dimension_semantics<arbitrary>], iteration_bounds = array<i64: 8, 4>, scalar_prefetch = 0 : i64, scratch_operands = 0 : i64, tpu.core_type = #tpu.core_type<tc>, window_params = [{transform_indices = @transform_0, window_bounds = array<i64: 1, 512, 256>}, {transform_indices = @transform_1, window_bounds = array<i64: 1, 2048, 256>}, {transform_indices = @transform_2, window_bounds = array<i64: 1, 512, 16>}]} {
    %get3A = arith.constant 0 : index
    %get3A_0 = arith.constant 0 : index
    %get3A_1 = arith.constant 0 : index
    %get3A_2 = vector.load %arg2[%get3A, %get3A_0, %get3A_1] : memref<1x512x256xf32, #tpu.memory_space<vmem>>, vector<1x512x256xf32>
    %get3A_3 = vector.shape_cast %get3A_2 : vector<1x512x256xf32> to vector<512x256xf32>
    %get3A_4 = arith.constant 0 : index
    %get3A_5 = arith.constant 0 : index
    %get3A_6 = arith.constant 0 : index
    %get3A_7 = vector.load %arg3[%get3A_4, %get3A_5, %get3A_6] : memref<1x2048x256xf32, #tpu.memory_space<vmem>>, vector<1x2048x256xf32>
    %get3A_8 = vector.shape_cast %get3A_7 : vector<1x2048x256xf32> to vector<2048x256xf32>
    %dot_general3A = arith.constant dense<0.000000e+00> : vector<512x2048xf32>
    %dot_general3A_9 = tpu.matmul %get3A_3, %get3A_8, %dot_general3A {dimension_numbers = #tpu.dot_dimension_numbers<[1], [1], [0], [0], [0, 0, 1, 0], [], []>, transpose_lhs_hint = false} : vector<512x256xf32>, vector<2048x256xf32>, vector<512x2048xf32> -> vector<512x2048xf32>
    %iota3A = tpu.iota {dimensions = array<i32: 1>} : vector<512x2048xi32>
    %reduce_max3A = arith.constant dense<0xFF800000> : vector<512xf32>
    %reduce_max3A_10 = vector.multi_reduction <maximumf>, %dot_general3A_9, %reduce_max3A [1] : vector<512x2048xf32> to vector<512xf32>
    %broadcast_in_dim3A = vector.shape_cast %reduce_max3A_10 : vector<512xf32> to vector<512x1xf32>
    %eq3A = vector.broadcast %broadcast_in_dim3A : vector<512x1xf32> to vector<512x2048xf32>
    %eq3A_11 = arith.cmpf oeq, %dot_general3A_9, %eq3A : vector<512x2048xf32>
    %jit3A = arith.constant 2048 : i32
    %broadcast_in_dim3A_12 = vector.broadcast %jit3A : i32 to vector<512x2048xi32>
    %select_n3A = arith.select %eq3A_11, %iota3A, %broadcast_in_dim3A_12 : vector<512x2048xi1>, vector<512x2048xi32>
    %reduce_min3A = arith.constant dense<2147483647> : vector<512xi32>
    %reduce_min3A_13 = vector.multi_reduction <minsi>, %select_n3A, %reduce_min3A [1] : vector<512x2048xi32> to vector<512xi32>
    %broadcast_in_dim3A_14 = vector.shape_cast %reduce_min3A_13 : vector<512xi32> to vector<512x1xi32>
    %eq3A_15 = vector.broadcast %broadcast_in_dim3A_14 : vector<512x1xi32> to vector<512x2048xi32>
    %eq3A_16 = arith.cmpi eq, %iota3A, %eq3A_15 : vector<512x2048xi32>
    %jit3A_17 = arith.constant 0xFF800000 : f32
    %broadcast_in_dim3A_18 = vector.broadcast %jit3A_17 : f32 to vector<512x2048xf32>
    %select_n3A_19 = arith.select %eq3A_16, %broadcast_in_dim3A_18, %dot_general3A_9 : vector<512x2048xi1>, vector<512x2048xf32>
    %reduce_max3A_20 = arith.constant dense<0xFF800000> : vector<512xf32>
    %reduce_max3A_21 = vector.multi_reduction <maximumf>, %select_n3A_19, %reduce_max3A_20 [1] : vector<512x2048xf32> to vector<512xf32>
    %broadcast_in_dim3A_22 = vector.shape_cast %reduce_max3A_21 : vector<512xf32> to vector<512x1xf32>
    %eq3A_23 = vector.broadcast %broadcast_in_dim3A_22 : vector<512x1xf32> to vector<512x2048xf32>
    %eq3A_24 = arith.cmpf oeq, %select_n3A_19, %eq3A_23 : vector<512x2048xf32>
    %jit3A_25 = arith.constant 2048 : i32
    %broadcast_in_dim3A_26 = vector.broadcast %jit3A_25 : i32 to vector<512x2048xi32>
    %select_n3A_27 = arith.select %eq3A_24, %iota3A, %broadcast_in_dim3A_26 : vector<512x2048xi1>, vector<512x2048xi32>
    %reduce_min3A_28 = arith.constant dense<2147483647> : vector<512xi32>
    %reduce_min3A_29 = vector.multi_reduction <minsi>, %select_n3A_27, %reduce_min3A_28 [1] : vector<512x2048xi32> to vector<512xi32>
    %broadcast_in_dim3A_30 = vector.shape_cast %reduce_min3A_29 : vector<512xi32> to vector<512x1xi32>
    %eq3A_31 = vector.broadcast %broadcast_in_dim3A_30 : vector<512x1xi32> to vector<512x2048xi32>
    %eq3A_32 = arith.cmpi eq, %iota3A, %eq3A_31 : vector<512x2048xi32>
    %jit3A_33 = arith.constant 0xFF800000 : f32
    %broadcast_in_dim3A_34 = vector.broadcast %jit3A_33 : f32 to vector<512x2048xf32>
    %select_n3A_35 = arith.select %eq3A_32, %broadcast_in_dim3A_34, %select_n3A_19 : vector<512x2048xi1>, vector<512x2048xf32>
    %reduce_max3A_36 = arith.constant dense<0xFF800000> : vector<512xf32>
    %reduce_max3A_37 = vector.multi_reduction <maximumf>, %select_n3A_35, %reduce_max3A_36 [1] : vector<512x2048xf32> to vector<512xf32>
    %broadcast_in_dim3A_38 = vector.shape_cast %reduce_max3A_37 : vector<512xf32> to vector<512x1xf32>
    %eq3A_39 = vector.broadcast %broadcast_in_dim3A_38 : vector<512x1xf32> to vector<512x2048xf32>
    %eq3A_40 = arith.cmpf oeq, %select_n3A_35, %eq3A_39 : vector<512x2048xf32>
    %jit3A_41 = arith.constant 2048 : i32
    %broadcast_in_dim3A_42 = vector.broadcast %jit3A_41 : i32 to vector<512x2048xi32>
    %select_n3A_43 = arith.select %eq3A_40, %iota3A, %broadcast_in_dim3A_42 : vector<512x2048xi1>, vector<512x2048xi32>
    %reduce_min3A_44 = arith.constant dense<2147483647> : vector<512xi32>
    %reduce_min3A_45 = vector.multi_reduction <minsi>, %select_n3A_43, %reduce_min3A_44 [1] : vector<512x2048xi32> to vector<512xi32>
    %broadcast_in_dim3A_46 = vector.shape_cast %reduce_min3A_45 : vector<512xi32> to vector<512x1xi32>
    %eq3A_47 = vector.broadcast %broadcast_in_dim3A_46 : vector<512x1xi32> to vector<512x2048xi32>
    %eq3A_48 = arith.cmpi eq, %iota3A, %eq3A_47 : vector<512x2048xi32>
    %jit3A_49 = arith.constant 0xFF800000 : f32
    %broadcast_in_dim3A_50 = vector.broadcast %jit3A_49 : f32 to vector<512x2048xf32>
    %select_n3A_51 = arith.select %eq3A_48, %broadcast_in_dim3A_50, %select_n3A_35 : vector<512x2048xi1>, vector<512x2048xf32>
    %reduce_max3A_52 = arith.constant dense<0xFF800000> : vector<512xf32>
    %reduce_max3A_53 = vector.multi_reduction <maximumf>, %select_n3A_51, %reduce_max3A_52 [1] : vector<512x2048xf32> to vector<512xf32>
    %broadcast_in_dim3A_54 = vector.shape_cast %reduce_max3A_53 : vector<512xf32> to vector<512x1xf32>
    %eq3A_55 = vector.broadcast %broadcast_in_dim3A_54 : vector<512x1xf32> to vector<512x2048xf32>
    %eq3A_56 = arith.cmpf oeq, %select_n3A_51, %eq3A_55 : vector<512x2048xf32>
    %jit3A_57 = arith.constant 2048 : i32
    %broadcast_in_dim3A_58 = vector.broadcast %jit3A_57 : i32 to vector<512x2048xi32>
    %select_n3A_59 = arith.select %eq3A_56, %iota3A, %broadcast_in_dim3A_58 : vector<512x2048xi1>, vector<512x2048xi32>
    %reduce_min3A_60 = arith.constant dense<2147483647> : vector<512xi32>
    %reduce_min3A_61 = vector.multi_reduction <minsi>, %select_n3A_59, %reduce_min3A_60 [1] : vector<512x2048xi32> to vector<512xi32>
    %broadcast_in_dim3A_62 = vector.shape_cast %reduce_min3A_61 : vector<512xi32> to vector<512x1xi32>
    %eq3A_63 = vector.broadcast %broadcast_in_dim3A_62 : vector<512x1xi32> to vector<512x2048xi32>
    %eq3A_64 = arith.cmpi eq, %iota3A, %eq3A_63 : vector<512x2048xi32>
    %jit3A_65 = arith.constant 0xFF800000 : f32
    %broadcast_in_dim3A_66 = vector.broadcast %jit3A_65 : f32 to vector<512x2048xf32>
    %select_n3A_67 = arith.select %eq3A_64, %broadcast_in_dim3A_66, %select_n3A_51 : vector<512x2048xi1>, vector<512x2048xf32>
    %reduce_max3A_68 = arith.constant dense<0xFF800000> : vector<512xf32>
    %reduce_max3A_69 = vector.multi_reduction <maximumf>, %select_n3A_67, %reduce_max3A_68 [1] : vector<512x2048xf32> to vector<512xf32>
    %broadcast_in_dim3A_70 = vector.shape_cast %reduce_max3A_69 : vector<512xf32> to vector<512x1xf32>
    %eq3A_71 = vector.broadcast %broadcast_in_dim3A_70 : vector<512x1xf32> to vector<512x2048xf32>
    %eq3A_72 = arith.cmpf oeq, %select_n3A_67, %eq3A_71 : vector<512x2048xf32>
    %jit3A_73 = arith.constant 2048 : i32
    %broadcast_in_dim3A_74 = vector.broadcast %jit3A_73 : i32 to vector<512x2048xi32>
    %select_n3A_75 = arith.select %eq3A_72, %iota3A, %broadcast_in_dim3A_74 : vector<512x2048xi1>, vector<512x2048xi32>
    %reduce_min3A_76 = arith.constant dense<2147483647> : vector<512xi32>
    %reduce_min3A_77 = vector.multi_reduction <minsi>, %select_n3A_75, %reduce_min3A_76 [1] : vector<512x2048xi32> to vector<512xi32>
    %broadcast_in_dim3A_78 = vector.shape_cast %reduce_min3A_77 : vector<512xi32> to vector<512x1xi32>
    %eq3A_79 = vector.broadcast %broadcast_in_dim3A_78 : vector<512x1xi32> to vector<512x2048xi32>
    %eq3A_80 = arith.cmpi eq, %iota3A, %eq3A_79 : vector<512x2048xi32>
    %jit3A_81 = arith.constant 0xFF800000 : f32
    %broadcast_in_dim3A_82 = vector.broadcast %jit3A_81 : f32 to vector<512x2048xf32>
    %select_n3A_83 = arith.select %eq3A_80, %broadcast_in_dim3A_82, %select_n3A_67 : vector<512x2048xi1>, vector<512x2048xf32>
    %reduce_max3A_84 = arith.constant dense<0xFF800000> : vector<512xf32>
    %reduce_max3A_85 = vector.multi_reduction <maximumf>, %select_n3A_83, %reduce_max3A_84 [1] : vector<512x2048xf32> to vector<512xf32>
    %broadcast_in_dim3A_86 = vector.shape_cast %reduce_max3A_85 : vector<512xf32> to vector<512x1xf32>
    %eq3A_87 = vector.broadcast %broadcast_in_dim3A_86 : vector<512x1xf32> to vector<512x2048xf32>
    %eq3A_88 = arith.cmpf oeq, %select_n3A_83, %eq3A_87 : vector<512x2048xf32>
    %jit3A_89 = arith.constant 2048 : i32
    %broadcast_in_dim3A_90 = vector.broadcast %jit3A_89 : i32 to vector<512x2048xi32>
    %select_n3A_91 = arith.select %eq3A_88, %iota3A, %broadcast_in_dim3A_90 : vector<512x2048xi1>, vector<512x2048xi32>
    %reduce_min3A_92 = arith.constant dense<2147483647> : vector<512xi32>
    %reduce_min3A_93 = vector.multi_reduction <minsi>, %select_n3A_91, %reduce_min3A_92 [1] : vector<512x2048xi32> to vector<512xi32>
    %broadcast_in_dim3A_94 = vector.shape_cast %reduce_min3A_93 : vector<512xi32> to vector<512x1xi32>
    %eq3A_95 = vector.broadcast %broadcast_in_dim3A_94 : vector<512x1xi32> to vector<512x2048xi32>
    %eq3A_96 = arith.cmpi eq, %iota3A, %eq3A_95 : vector<512x2048xi32>
    %jit3A_97 = arith.constant 0xFF800000 : f32
    %broadcast_in_dim3A_98 = vector.broadcast %jit3A_97 : f32 to vector<512x2048xf32>
    %select_n3A_99 = arith.select %eq3A_96, %broadcast_in_dim3A_98, %select_n3A_83 : vector<512x2048xi1>, vector<512x2048xf32>
    %reduce_max3A_100 = arith.constant dense<0xFF800000> : vector<512xf32>
    %reduce_max3A_101 = vector.multi_reduction <maximumf>, %select_n3A_99, %reduce_max3A_100 [1] : vector<512x2048xf32> to vector<512xf32>
    %broadcast_in_dim3A_102 = vector.shape_cast %reduce_max3A_101 : vector<512xf32> to vector<512x1xf32>
    %eq3A_103 = vector.broadcast %broadcast_in_dim3A_102 : vector<512x1xf32> to vector<512x2048xf32>
    %eq3A_104 = arith.cmpf oeq, %select_n3A_99, %eq3A_103 : vector<512x2048xf32>
    %jit3A_105 = arith.constant 2048 : i32
    %broadcast_in_dim3A_106 = vector.broadcast %jit3A_105 : i32 to vector<512x2048xi32>
    %select_n3A_107 = arith.select %eq3A_104, %iota3A, %broadcast_in_dim3A_106 : vector<512x2048xi1>, vector<512x2048xi32>
    %reduce_min3A_108 = arith.constant dense<2147483647> : vector<512xi32>
    %reduce_min3A_109 = vector.multi_reduction <minsi>, %select_n3A_107, %reduce_min3A_108 [1] : vector<512x2048xi32> to vector<512xi32>
    %broadcast_in_dim3A_110 = vector.shape_cast %reduce_min3A_109 : vector<512xi32> to vector<512x1xi32>
    %eq3A_111 = vector.broadcast %broadcast_in_dim3A_110 : vector<512x1xi32> to vector<512x2048xi32>
    %eq3A_112 = arith.cmpi eq, %iota3A, %eq3A_111 : vector<512x2048xi32>
    %jit3A_113 = arith.constant 0xFF800000 : f32
    %broadcast_in_dim3A_114 = vector.broadcast %jit3A_113 : f32 to vector<512x2048xf32>
    %select_n3A_115 = arith.select %eq3A_112, %broadcast_in_dim3A_114, %select_n3A_99 : vector<512x2048xi1>, vector<512x2048xf32>
    %reduce_max3A_116 = arith.constant dense<0xFF800000> : vector<512xf32>
    %reduce_max3A_117 = vector.multi_reduction <maximumf>, %select_n3A_115, %reduce_max3A_116 [1] : vector<512x2048xf32> to vector<512xf32>
    %broadcast_in_dim3A_118 = vector.shape_cast %reduce_max3A_117 : vector<512xf32> to vector<512x1xf32>
    %eq3A_119 = vector.broadcast %broadcast_in_dim3A_118 : vector<512x1xf32> to vector<512x2048xf32>
    %eq3A_120 = arith.cmpf oeq, %select_n3A_115, %eq3A_119 : vector<512x2048xf32>
    %jit3A_121 = arith.constant 2048 : i32
    %broadcast_in_dim3A_122 = vector.broadcast %jit3A_121 : i32 to vector<512x2048xi32>
    %select_n3A_123 = arith.select %eq3A_120, %iota3A, %broadcast_in_dim3A_122 : vector<512x2048xi1>, vector<512x2048xi32>
    %reduce_min3A_124 = arith.constant dense<2147483647> : vector<512xi32>
    %reduce_min3A_125 = vector.multi_reduction <minsi>, %select_n3A_123, %reduce_min3A_124 [1] : vector<512x2048xi32> to vector<512xi32>
    %broadcast_in_dim3A_126 = vector.shape_cast %reduce_min3A_125 : vector<512xi32> to vector<512x1xi32>
    %eq3A_127 = vector.broadcast %broadcast_in_dim3A_126 : vector<512x1xi32> to vector<512x2048xi32>
    %eq3A_128 = arith.cmpi eq, %iota3A, %eq3A_127 : vector<512x2048xi32>
    %jit3A_129 = arith.constant 0xFF800000 : f32
    %broadcast_in_dim3A_130 = vector.broadcast %jit3A_129 : f32 to vector<512x2048xf32>
    %select_n3A_131 = arith.select %eq3A_128, %broadcast_in_dim3A_130, %select_n3A_115 : vector<512x2048xi1>, vector<512x2048xf32>
    %reduce_max3A_132 = arith.constant dense<0xFF800000> : vector<512xf32>
    %reduce_max3A_133 = vector.multi_reduction <maximumf>, %select_n3A_131, %reduce_max3A_132 [1] : vector<512x2048xf32> to vector<512xf32>
    %broadcast_in_dim3A_134 = vector.shape_cast %reduce_max3A_133 : vector<512xf32> to vector<512x1xf32>
    %eq3A_135 = vector.broadcast %broadcast_in_dim3A_134 : vector<512x1xf32> to vector<512x2048xf32>
    %eq3A_136 = arith.cmpf oeq, %select_n3A_131, %eq3A_135 : vector<512x2048xf32>
    %jit3A_137 = arith.constant 2048 : i32
    %broadcast_in_dim3A_138 = vector.broadcast %jit3A_137 : i32 to vector<512x2048xi32>
    %select_n3A_139 = arith.select %eq3A_136, %iota3A, %broadcast_in_dim3A_138 : vector<512x2048xi1>, vector<512x2048xi32>
    %reduce_min3A_140 = arith.constant dense<2147483647> : vector<512xi32>
    %reduce_min3A_141 = vector.multi_reduction <minsi>, %select_n3A_139, %reduce_min3A_140 [1] : vector<512x2048xi32> to vector<512xi32>
    %broadcast_in_dim3A_142 = vector.shape_cast %reduce_min3A_141 : vector<512xi32> to vector<512x1xi32>
    %eq3A_143 = vector.broadcast %broadcast_in_dim3A_142 : vector<512x1xi32> to vector<512x2048xi32>
    %eq3A_144 = arith.cmpi eq, %iota3A, %eq3A_143 : vector<512x2048xi32>
    %jit3A_145 = arith.constant 0xFF800000 : f32
    %broadcast_in_dim3A_146 = vector.broadcast %jit3A_145 : f32 to vector<512x2048xf32>
    %select_n3A_147 = arith.select %eq3A_144, %broadcast_in_dim3A_146, %select_n3A_131 : vector<512x2048xi1>, vector<512x2048xf32>
    %reduce_max3A_148 = arith.constant dense<0xFF800000> : vector<512xf32>
    %reduce_max3A_149 = vector.multi_reduction <maximumf>, %select_n3A_147, %reduce_max3A_148 [1] : vector<512x2048xf32> to vector<512xf32>
    %broadcast_in_dim3A_150 = vector.shape_cast %reduce_max3A_149 : vector<512xf32> to vector<512x1xf32>
    %eq3A_151 = vector.broadcast %broadcast_in_dim3A_150 : vector<512x1xf32> to vector<512x2048xf32>
    %eq3A_152 = arith.cmpf oeq, %select_n3A_147, %eq3A_151 : vector<512x2048xf32>
    %jit3A_153 = arith.constant 2048 : i32
    %broadcast_in_dim3A_154 = vector.broadcast %jit3A_153 : i32 to vector<512x2048xi32>
    %select_n3A_155 = arith.select %eq3A_152, %iota3A, %broadcast_in_dim3A_154 : vector<512x2048xi1>, vector<512x2048xi32>
    %reduce_min3A_156 = arith.constant dense<2147483647> : vector<512xi32>
    %reduce_min3A_157 = vector.multi_reduction <minsi>, %select_n3A_155, %reduce_min3A_156 [1] : vector<512x2048xi32> to vector<512xi32>
    %broadcast_in_dim3A_158 = vector.shape_cast %reduce_min3A_157 : vector<512xi32> to vector<512x1xi32>
    %eq3A_159 = vector.broadcast %broadcast_in_dim3A_158 : vector<512x1xi32> to vector<512x2048xi32>
    %eq3A_160 = arith.cmpi eq, %iota3A, %eq3A_159 : vector<512x2048xi32>
    %jit3A_161 = arith.constant 0xFF800000 : f32
    %broadcast_in_dim3A_162 = vector.broadcast %jit3A_161 : f32 to vector<512x2048xf32>
    %select_n3A_163 = arith.select %eq3A_160, %broadcast_in_dim3A_162, %select_n3A_147 : vector<512x2048xi1>, vector<512x2048xf32>
    %reduce_max3A_164 = arith.constant dense<0xFF800000> : vector<512xf32>
    %reduce_max3A_165 = vector.multi_reduction <maximumf>, %select_n3A_163, %reduce_max3A_164 [1] : vector<512x2048xf32> to vector<512xf32>
    %broadcast_in_dim3A_166 = vector.shape_cast %reduce_max3A_165 : vector<512xf32> to vector<512x1xf32>
    %eq3A_167 = vector.broadcast %broadcast_in_dim3A_166 : vector<512x1xf32> to vector<512x2048xf32>
    %eq3A_168 = arith.cmpf oeq, %select_n3A_163, %eq3A_167 : vector<512x2048xf32>
    %jit3A_169 = arith.constant 2048 : i32
    %broadcast_in_dim3A_170 = vector.broadcast %jit3A_169 : i32 to vector<512x2048xi32>
    %select_n3A_171 = arith.select %eq3A_168, %iota3A, %broadcast_in_dim3A_170 : vector<512x2048xi1>, vector<512x2048xi32>
    %reduce_min3A_172 = arith.constant dense<2147483647> : vector<512xi32>
    %reduce_min3A_173 = vector.multi_reduction <minsi>, %select_n3A_171, %reduce_min3A_172 [1] : vector<512x2048xi32> to vector<512xi32>
    %broadcast_in_dim3A_174 = vector.shape_cast %reduce_min3A_173 : vector<512xi32> to vector<512x1xi32>
    %eq3A_175 = vector.broadcast %broadcast_in_dim3A_174 : vector<512x1xi32> to vector<512x2048xi32>
    %eq3A_176 = arith.cmpi eq, %iota3A, %eq3A_175 : vector<512x2048xi32>
    %jit3A_177 = arith.constant 0xFF800000 : f32
    %broadcast_in_dim3A_178 = vector.broadcast %jit3A_177 : f32 to vector<512x2048xf32>
    %select_n3A_179 = arith.select %eq3A_176, %broadcast_in_dim3A_178, %select_n3A_163 : vector<512x2048xi1>, vector<512x2048xf32>
    %reduce_max3A_180 = arith.constant dense<0xFF800000> : vector<512xf32>
    %reduce_max3A_181 = vector.multi_reduction <maximumf>, %select_n3A_179, %reduce_max3A_180 [1] : vector<512x2048xf32> to vector<512xf32>
    %broadcast_in_dim3A_182 = vector.shape_cast %reduce_max3A_181 : vector<512xf32> to vector<512x1xf32>
    %eq3A_183 = vector.broadcast %broadcast_in_dim3A_182 : vector<512x1xf32> to vector<512x2048xf32>
    %eq3A_184 = arith.cmpf oeq, %select_n3A_179, %eq3A_183 : vector<512x2048xf32>
    %jit3A_185 = arith.constant 2048 : i32
    %broadcast_in_dim3A_186 = vector.broadcast %jit3A_185 : i32 to vector<512x2048xi32>
    %select_n3A_187 = arith.select %eq3A_184, %iota3A, %broadcast_in_dim3A_186 : vector<512x2048xi1>, vector<512x2048xi32>
    %reduce_min3A_188 = arith.constant dense<2147483647> : vector<512xi32>
    %reduce_min3A_189 = vector.multi_reduction <minsi>, %select_n3A_187, %reduce_min3A_188 [1] : vector<512x2048xi32> to vector<512xi32>
    %broadcast_in_dim3A_190 = vector.shape_cast %reduce_min3A_189 : vector<512xi32> to vector<512x1xi32>
    %eq3A_191 = vector.broadcast %broadcast_in_dim3A_190 : vector<512x1xi32> to vector<512x2048xi32>
    %eq3A_192 = arith.cmpi eq, %iota3A, %eq3A_191 : vector<512x2048xi32>
    %jit3A_193 = arith.constant 0xFF800000 : f32
    %broadcast_in_dim3A_194 = vector.broadcast %jit3A_193 : f32 to vector<512x2048xf32>
    %select_n3A_195 = arith.select %eq3A_192, %broadcast_in_dim3A_194, %select_n3A_179 : vector<512x2048xi1>, vector<512x2048xf32>
    %reduce_max3A_196 = arith.constant dense<0xFF800000> : vector<512xf32>
    %reduce_max3A_197 = vector.multi_reduction <maximumf>, %select_n3A_195, %reduce_max3A_196 [1] : vector<512x2048xf32> to vector<512xf32>
    %broadcast_in_dim3A_198 = vector.shape_cast %reduce_max3A_197 : vector<512xf32> to vector<512x1xf32>
    %eq3A_199 = vector.broadcast %broadcast_in_dim3A_198 : vector<512x1xf32> to vector<512x2048xf32>
    %eq3A_200 = arith.cmpf oeq, %select_n3A_195, %eq3A_199 : vector<512x2048xf32>
    %jit3A_201 = arith.constant 2048 : i32
    %broadcast_in_dim3A_202 = vector.broadcast %jit3A_201 : i32 to vector<512x2048xi32>
    %select_n3A_203 = arith.select %eq3A_200, %iota3A, %broadcast_in_dim3A_202 : vector<512x2048xi1>, vector<512x2048xi32>
    %reduce_min3A_204 = arith.constant dense<2147483647> : vector<512xi32>
    %reduce_min3A_205 = vector.multi_reduction <minsi>, %select_n3A_203, %reduce_min3A_204 [1] : vector<512x2048xi32> to vector<512xi32>
    %broadcast_in_dim3A_206 = vector.shape_cast %reduce_min3A_205 : vector<512xi32> to vector<512x1xi32>
    %eq3A_207 = vector.broadcast %broadcast_in_dim3A_206 : vector<512x1xi32> to vector<512x2048xi32>
    %eq3A_208 = arith.cmpi eq, %iota3A, %eq3A_207 : vector<512x2048xi32>
    %jit3A_209 = arith.constant 0xFF800000 : f32
    %broadcast_in_dim3A_210 = vector.broadcast %jit3A_209 : f32 to vector<512x2048xf32>
    %select_n3A_211 = arith.select %eq3A_208, %broadcast_in_dim3A_210, %select_n3A_195 : vector<512x2048xi1>, vector<512x2048xf32>
    %reduce_max3A_212 = arith.constant dense<0xFF800000> : vector<512xf32>
    %reduce_max3A_213 = vector.multi_reduction <maximumf>, %select_n3A_211, %reduce_max3A_212 [1] : vector<512x2048xf32> to vector<512xf32>
    %broadcast_in_dim3A_214 = vector.shape_cast %reduce_max3A_213 : vector<512xf32> to vector<512x1xf32>
    %eq3A_215 = vector.broadcast %broadcast_in_dim3A_214 : vector<512x1xf32> to vector<512x2048xf32>
    %eq3A_216 = arith.cmpf oeq, %select_n3A_211, %eq3A_215 : vector<512x2048xf32>
    %jit3A_217 = arith.constant 2048 : i32
    %broadcast_in_dim3A_218 = vector.broadcast %jit3A_217 : i32 to vector<512x2048xi32>
    %select_n3A_219 = arith.select %eq3A_216, %iota3A, %broadcast_in_dim3A_218 : vector<512x2048xi1>, vector<512x2048xi32>
    %reduce_min3A_220 = arith.constant dense<2147483647> : vector<512xi32>
    %reduce_min3A_221 = vector.multi_reduction <minsi>, %select_n3A_219, %reduce_min3A_220 [1] : vector<512x2048xi32> to vector<512xi32>
    %broadcast_in_dim3A_222 = vector.shape_cast %reduce_min3A_221 : vector<512xi32> to vector<512x1xi32>
    %eq3A_223 = vector.broadcast %broadcast_in_dim3A_222 : vector<512x1xi32> to vector<512x2048xi32>
    %eq3A_224 = arith.cmpi eq, %iota3A, %eq3A_223 : vector<512x2048xi32>
    %jit3A_225 = arith.constant 0xFF800000 : f32
    %broadcast_in_dim3A_226 = vector.broadcast %jit3A_225 : f32 to vector<512x2048xf32>
    %select_n3A_227 = arith.select %eq3A_224, %broadcast_in_dim3A_226, %select_n3A_211 : vector<512x2048xi1>, vector<512x2048xf32>
    %reduce_max3A_228 = arith.constant dense<0xFF800000> : vector<512xf32>
    %reduce_max3A_229 = vector.multi_reduction <maximumf>, %select_n3A_227, %reduce_max3A_228 [1] : vector<512x2048xf32> to vector<512xf32>
    %broadcast_in_dim3A_230 = vector.shape_cast %reduce_max3A_229 : vector<512xf32> to vector<512x1xf32>
    %eq3A_231 = vector.broadcast %broadcast_in_dim3A_230 : vector<512x1xf32> to vector<512x2048xf32>
    %eq3A_232 = arith.cmpf oeq, %select_n3A_227, %eq3A_231 : vector<512x2048xf32>
    %jit3A_233 = arith.constant 2048 : i32
    %broadcast_in_dim3A_234 = vector.broadcast %jit3A_233 : i32 to vector<512x2048xi32>
    %select_n3A_235 = arith.select %eq3A_232, %iota3A, %broadcast_in_dim3A_234 : vector<512x2048xi1>, vector<512x2048xi32>
    %reduce_min3A_236 = arith.constant dense<2147483647> : vector<512xi32>
    %reduce_min3A_237 = vector.multi_reduction <minsi>, %select_n3A_235, %reduce_min3A_236 [1] : vector<512x2048xi32> to vector<512xi32>
    %broadcast_in_dim3A_238 = vector.shape_cast %reduce_min3A_237 : vector<512xi32> to vector<512x1xi32>
    %eq3A_239 = vector.broadcast %broadcast_in_dim3A_238 : vector<512x1xi32> to vector<512x2048xi32>
    %eq3A_240 = arith.cmpi eq, %iota3A, %eq3A_239 : vector<512x2048xi32>
    %jit3A_241 = arith.constant 0xFF800000 : f32
    %broadcast_in_dim3A_242 = vector.broadcast %jit3A_241 : f32 to vector<512x2048xf32>
    %select_n3A_243 = arith.select %eq3A_240, %broadcast_in_dim3A_242, %select_n3A_227 : vector<512x2048xi1>, vector<512x2048xf32>
    %reduce_max3A_244 = arith.constant dense<0xFF800000> : vector<512xf32>
    %reduce_max3A_245 = vector.multi_reduction <maximumf>, %select_n3A_243, %reduce_max3A_244 [1] : vector<512x2048xf32> to vector<512xf32>
    %broadcast_in_dim3A_246 = vector.shape_cast %reduce_max3A_245 : vector<512xf32> to vector<512x1xf32>
    %eq3A_247 = vector.broadcast %broadcast_in_dim3A_246 : vector<512x1xf32> to vector<512x2048xf32>
    %eq3A_248 = arith.cmpf oeq, %select_n3A_243, %eq3A_247 : vector<512x2048xf32>
    %jit3A_249 = arith.constant 2048 : i32
    %broadcast_in_dim3A_250 = vector.broadcast %jit3A_249 : i32 to vector<512x2048xi32>
    %select_n3A_251 = arith.select %eq3A_248, %iota3A, %broadcast_in_dim3A_250 : vector<512x2048xi1>, vector<512x2048xi32>
    %reduce_min3A_252 = arith.constant dense<2147483647> : vector<512xi32>
    %reduce_min3A_253 = vector.multi_reduction <minsi>, %select_n3A_251, %reduce_min3A_252 [1] : vector<512x2048xi32> to vector<512xi32>
    %broadcast_in_dim3A_254 = vector.shape_cast %reduce_min3A_253 : vector<512xi32> to vector<512x1xi32>
    %eq3A_255 = vector.broadcast %broadcast_in_dim3A_254 : vector<512x1xi32> to vector<512x2048xi32>
    %eq3A_256 = arith.cmpi eq, %iota3A, %eq3A_255 : vector<512x2048xi32>
    %jit3A_257 = arith.constant 0xFF800000 : f32
    %broadcast_in_dim3A_258 = vector.broadcast %jit3A_257 : f32 to vector<512x2048xf32>
    %select_n3A_259 = arith.select %eq3A_256, %broadcast_in_dim3A_258, %select_n3A_243 : vector<512x2048xi1>, vector<512x2048xf32>
    %reduce_max3A_260 = arith.constant dense<0xFF800000> : vector<512xf32>
    %reduce_max3A_261 = vector.multi_reduction <maximumf>, %select_n3A_259, %reduce_max3A_260 [1] : vector<512x2048xf32> to vector<512xf32>
    %broadcast_in_dim3A_262 = vector.shape_cast %reduce_max3A_261 : vector<512xf32> to vector<512x1xf32>
    %eq3A_263 = vector.broadcast %broadcast_in_dim3A_262 : vector<512x1xf32> to vector<512x2048xf32>
    %eq3A_264 = arith.cmpf oeq, %select_n3A_259, %eq3A_263 : vector<512x2048xf32>
    %jit3A_265 = arith.constant 2048 : i32
    %broadcast_in_dim3A_266 = vector.broadcast %jit3A_265 : i32 to vector<512x2048xi32>
    %select_n3A_267 = arith.select %eq3A_264, %iota3A, %broadcast_in_dim3A_266 : vector<512x2048xi1>, vector<512x2048xi32>
    %reduce_min3A_268 = arith.constant dense<2147483647> : vector<512xi32>
    %reduce_min3A_269 = vector.multi_reduction <minsi>, %select_n3A_267, %reduce_min3A_268 [1] : vector<512x2048xi32> to vector<512xi32>
    %stack3A = vector.shape_cast %reduce_min3A_29 : vector<512xi32> to vector<512x1xi32>
    %stack3A_270 = vector.shape_cast %reduce_min3A_45 : vector<512xi32> to vector<512x1xi32>
    %stack3A_271 = vector.shape_cast %reduce_min3A_61 : vector<512xi32> to vector<512x1xi32>
    %stack3A_272 = vector.shape_cast %reduce_min3A_77 : vector<512xi32> to vector<512x1xi32>
    %stack3A_273 = vector.shape_cast %reduce_min3A_93 : vector<512xi32> to vector<512x1xi32>
    %stack3A_274 = vector.shape_cast %reduce_min3A_109 : vector<512xi32> to vector<512x1xi32>
    %stack3A_275 = vector.shape_cast %reduce_min3A_125 : vector<512xi32> to vector<512x1xi32>
    %stack3A_276 = vector.shape_cast %reduce_min3A_141 : vector<512xi32> to vector<512x1xi32>
    %stack3A_277 = vector.shape_cast %reduce_min3A_157 : vector<512xi32> to vector<512x1xi32>
    %stack3A_278 = vector.shape_cast %reduce_min3A_173 : vector<512xi32> to vector<512x1xi32>
    %stack3A_279 = vector.shape_cast %reduce_min3A_189 : vector<512xi32> to vector<512x1xi32>
    %stack3A_280 = vector.shape_cast %reduce_min3A_205 : vector<512xi32> to vector<512x1xi32>
    %stack3A_281 = vector.shape_cast %reduce_min3A_221 : vector<512xi32> to vector<512x1xi32>
    %stack3A_282 = vector.shape_cast %reduce_min3A_237 : vector<512xi32> to vector<512x1xi32>
    %stack3A_283 = vector.shape_cast %reduce_min3A_253 : vector<512xi32> to vector<512x1xi32>
    %stack3A_284 = vector.shape_cast %reduce_min3A_269 : vector<512xi32> to vector<512x1xi32>
    %stack3A_285 = tpu.concatenate %stack3A, %stack3A_270, %stack3A_271, %stack3A_272, %stack3A_273, %stack3A_274, %stack3A_275, %stack3A_276, %stack3A_277, %stack3A_278, %stack3A_279, %stack3A_280, %stack3A_281, %stack3A_282, %stack3A_283, %stack3A_284 in 1 : vector<512x1xi32>, vector<512x1xi32>, vector<512x1xi32>, vector<512x1xi32>, vector<512x1xi32>, vector<512x1xi32>, vector<512x1xi32>, vector<512x1xi32>, vector<512x1xi32>, vector<512x1xi32>, vector<512x1xi32>, vector<512x1xi32>, vector<512x1xi32>, vector<512x1xi32>, vector<512x1xi32>, vector<512x1xi32> -> vector<512x16xi32>
    %swap3A = arith.constant 0 : index
    %swap3A_286 = arith.constant 0 : index
    %swap3A_287 = arith.constant 0 : index
    %swap3A_288 = vector.load %arg4[%swap3A, %swap3A_286, %swap3A_287] : memref<1x512x16xi32, #tpu.memory_space<vmem>>, vector<1x512x16xi32>
    %swap3A_289 = vector.shape_cast %swap3A_288 : vector<1x512x16xi32> to vector<512x16xi32>
    %swap3A_290 = vector.shape_cast %stack3A_285 : vector<512x16xi32> to vector<1x512x16xi32>
    tpu.vector_store %arg4[%swap3A, %swap3A_286, %swap3A_287], %swap3A_290 {strides = array<i32>} : memref<1x512x16xi32, #tpu.memory_space<vmem>>, vector<1x512x16xi32>,
    return
  }
  func.func @transform_0(%arg0: i32, %arg1: i32) -> (i32, i32, i32) {
    %c0_i32 = arith.constant 0 : i32
    %c0_i32_0 = arith.constant 0 : i32
    return %arg0, %arg1, %c0_i32 : i32, i32, i32
  }
  func.func @transform_1(%arg0: i32, %arg1: i32) -> (i32, i32, i32) {
    %c0_i32 = arith.constant 0 : i32
    %c0_i32_0 = arith.constant 0 : i32
    %c0_i32_1 = arith.constant 0 : i32
    return %arg0, %c0_i32, %c0_i32_0 : i32, i32, i32
  }
  func.func @transform_2(%arg0: i32, %arg1: i32) -> (i32, i32, i32) {
    %c0_i32 = arith.constant 0 : i32
    %c0_i32_0 = arith.constant 0 : i32
    return %arg0, %arg1, %c0_i32 : i32, i32, i32
  }
}

</mosaic_0001>

<sc_bundles>
// kernel: kernel.4.cloned.1.call-start
scs
__scs_entry_jumppad:
0x0: {  	(pc) =	sbr.rel $0x88, $3  }
0x1: {  	(tag) =	ssettag $0x0;
	lr =	simm.s32 $0x1  }
0x2: {  	[smem:$0x3FA0] =	sst lr;
	_ =	strace $0xD0000000  }
0x3: {  	_ = 	snop  }
0x4: {  	_ = 	snop  }
0x5: {  	_ = 	snop  }
0x6: {  	_ = 	snop  }
0x7: {  	_ = 	snop  }
__scs_overlays_trampoline_lowered:
0x8: {  	[smem:$0x3FAF] =	sst s0  }
0x9: {  	[smem:$0x3FB0] =	sst s1  }
0xa: {  	[smem:$0x3FB1] =	sst s2  }
0xb: {  	[smem:$0x3FB2] =	sst s3  }
0xc: {  	[smem:$0x3FB3] =	sst s4  }
0xd: {  	[smem:$0x3FB4] =	sst s5  }
0xe: {  	[smem:$0x3FB5] =	sst s6  }
0xf: {  	[smem:$0x3FB6] =	sst s7  }
0x10: {  	[smem:$0x3FB7] =	sst s8  }
0x11: {  	[smem:$0x3FB8] =	sst s9;
	s0 =	simm.s32 @!p0 $0x0  }
0x12: {  	s1 =	sld [smem:$0x3F9E];
	s0 =	simm.s32 @p0 $0x1  }
0x13: {  	[smem:$0x3FB9] =	sst s0;
	s0 =	simm.s32 @!p1 $0x0  }
0x14: {  	s2 =	sld [smem:$0x3F9D];
	s0 =	simm.s32 @p1 $0x1  }
0x15: {  	[smem:$0x3FBA] =	sst s0;
	s0 =	simm.s32 @!p2 $0x0  }
0x16: {  	s3 =	sld [smem:$0x3FDB];
	s0 =	simm.s32 @p2 $0x1  }
0x17: {  	s4 =	simm.s32 $0x1BF5;
	[smem:$0x3FBC] =	sst s0  }
0x18: {  	s0 =	sld [smem:$0x3F9F];
	_ =	swait.ge [sflag:s4], $0x0  }
0x19: {  	s7 =	sld [smem:$0x3FA0]  }
0x1a: {  	s8 =	sadd.s32 $0xFFFFE003, lr  }
0x1b: {  	s9 =	sadd.s32 $0xFFFFFEF7, lr;
	s5 =	simm.s32 $0xFFFFFFFF;
	p2 =	slt.u32 s8, $0xFFFFF086  }
0x1c: {  	p1 =	slt.u32 s9, $0xF7A;
	s5 =	simm.s32 @!p2 $0x0  }
0x1d: {  	s5 =	simm.s32 @p1 $0x1;
	p0 =	seq.s32 s7, s2  }
0x1e: {  	s7 =	smul.u32 @!p0 $0xF7A, s2;
	p2 =	seq.s32 @!p0 s5, $0x0  }
0x1f: {  	s9 =	smul.u32 $0xF7A, s1;
	s8 =	simm.s32 @!p0 $0x1BF5;
	p2 =	por !p2, p0  }
0x20: {  	[sflag:s8] =	ssyncset.s32 @!p0 $0xFFFFF086;
	s6 =	sadd.s32 @!p0 s3, s7;
	s7 =	simm.s32 @!p0 $0x108  }
0x21: {  	s3 =	sadd.s32 s3, s9;
	s6 =	sadd.s32 @!p0 $0x88, s6;
	s7 =	simm.s32 @p2 $0x1082  }
0x22: {  	[simem:s7], [sflag:s8] =	dma.local @!p0 [hbm:s6], $0xF7A  }
0x23: {  	s9 =	sor.u32 $0xD0000000, s2;
	s6 =	simm.s32 $0x108;
	_ =	swait.ge @!p0 [sflag:s8], $0x0  }
0x24: {  	s3 =	sadd.s32 $0x88, s3;
	s6 =	simm.s32 @!p1 $0x1082;
	[sflag:s4] =	ssyncset.s32 $0xFFFFF086  }
0x25: {  	[simem:s6], [sflag:s4] =	dma.local [hbm:s3], $0xF7A  }
0x26: {  	[smem:$0x3FA0] =	sst s1;
	(tag) =	ssettag s2;
	_ =	strace s9  }
0x27: {  	s1 =	sld [smem:$0x3FB0]  }
0x28: {  	s2 =	sld [smem:$0x3FB1]  }
0x29: {  	s4 =	sld [smem:$0x3FB3]  }
0x2a: {  	p0 =	seq.s32 s5, $0x0;
	s5 =	sld [smem:$0x3FB4]  }
0x2b: {  	s6 =	sld [smem:$0x3FB5]  }
0x2c: {  	s7 =	sld [smem:$0x3FB6]  }
0x2d: {  	s3 =	simm.s32 $0x108;
	s8 =	sld [smem:$0x3FB7]  }
0x2e: {  	s3 =	simm.s32 @!p0 $0x1082;
	s9 =	sld [smem:$0x3FB8]  }
0x2f: {  	lr =	sadd.s32 s0, s3;
	s0 =	sld [smem:$0x3FAF]  }
0x30: {  	s3 =	sld [smem:$0x3FB2]  }
0x31: {  	[smem:$0x3FBB] =	sst s10  }
0x32: {  	s10 =	sld [smem:$0x3FB9];
	_ =	sdelay $0x3  }
0x33: {  	p0 =	seq.s32 s10, $0x1;
	s10 =	sld [smem:$0x3FBB];
	_ =	sdelay $0x3  }
0x34: {  	[smem:$0x3FBB] =	sst s10  }
0x35: {  	s10 =	sld [smem:$0x3FBA];
	_ =	sdelay $0x3  }
0x36: {  	p1 =	seq.s32 s10, $0x1;
	s10 =	sld [smem:$0x3FBB];
	_ =	sdelay $0x3  }
0x37: {  	[smem:$0x3FBB] =	sst s10  }
0x38: {  	s10 =	sld [smem:$0x3FBC]  }
0x39: {  	_ = 	snop;
	(pc) =	sbr.ind lr, $3  }
0x3a: {  	_ = 	snop  }
0x3b: {  	_ = 	snop  }
0x3c: {  	p2 =	seq.s32 s10, $0x1;
	s10 =	sld [smem:$0x3FBB]  }
0x3d: {  	_ =	shalt  }
0x3e: {  	_ =	shalt  }
0x3f: {  	_ =	shalt  }
0x40: {  	_ =	shalt  }
0x41: {  	_ =	shalt  }
0x42: {  	_ =	shalt  }
0x43: {  	_ =	shalt  }
0x44: {  	_ =	shalt  }
0x45: {  	_ =	shalt  }
0x46: {  	_ =	shalt  }
0x47: {  	_ =	shalt  }
0x48: {  	_ =	shalt  }
0x49: {  	_ =	shalt  }
0x4a: {  	_ =	shalt  }
0x4b: {  	_ =	shalt  }
0x4c: {  	_ =	shalt  }
0x4d: {  	_ =	shalt  }
0x4e: {  	_ =	shalt  }
0x4f: {  	_ =	shalt  }
0x50: {  	_ =	shalt  }
0x51: {  	_ =	shalt  }
0x52: {  	_ =	shalt  }
0x53: {  	_ =	shalt  }
0x54: {  	_ =	shalt  }
0x55: {  	_ =	shalt  }
0x56: {  	_ =	shalt  }
0x57: {  	_ =	shalt  }
0x58: {  	_ =	shalt  }
0x59: {  	_ =	shalt  }
0x5a: {  	_ =	shalt  }
0x5b: {  	_ =	shalt  }
0x5c: {  	_ =	shalt  }
0x5d: {  	_ =	shalt  }
0x5e: {  	_ =	shalt  }
0x5f: {  	_ =	shalt  }
0x60: {  	_ =	shalt  }
0x61: {  	_ =	shalt  }
0x62: {  	_ =	shalt  }
0x63: {  	_ =	shalt  }
0x64: {  	_ =	shalt  }
0x65: {  	_ =	shalt  }
0x66: {  	_ =	shalt  }
0x67: {  	_ =	shalt  }
0x68: {  	_ =	shalt  }
0x69: {  	_ =	shalt  }
0x6a: {  	_ =	shalt  }
0x6b: {  	_ =	shalt  }
0x6c: {  	_ =	shalt  }
0x6d: {  	_ =	shalt  }
0x6e: {  	_ =	shalt  }
0x6f: {  	_ =	shalt  }
0x70: {  	_ =	shalt  }
0x71: {  	_ =	shalt  }
0x72: {  	_ =	shalt  }
0x73: {  	_ =	shalt  }
0x74: {  	_ =	shalt  }
0x75: {  	_ =	shalt  }
0x76: {  	_ =	shalt  }
0x77: {  	_ =	shalt  }
0x78: {  	_ =	shalt  }
0x79: {  	_ =	shalt  }
0x7a: {  	_ =	shalt  }
0x7b: {  	_ =	shalt  }
0x7c: {  	_ =	shalt  }
0x7d: {  	_ =	shalt  }
0x7e: {  	_ =	shalt  }
0x7f: {  	_ =	shalt  }
0x80: {  	_ =	shalt  }
0x81: {  	_ =	shalt  }
0x82: {  	_ =	shalt  }
0x83: {  	_ =	shalt  }
0x84: {  	_ =	shalt  }
0x85: {  	_ =	shalt  }
0x86: {  	_ =	shalt  }
0x87: {  	_ =	shalt  }
.Lfunc_end0:
.L_simem_size_0:
called_computation_lowered:
.L_overlay_start_0:
0x88: {  	s2 =	sld [smem:$0x3FD9]  }
0x89: {  	s3 =	sld [smem:$0x3FFE];
	_ =	sdelay $0x1  }
0x8a: {  	s1 =	srdreg.scid  }
0x8b: {  	s0 =	sand.u32 $0x1, s1  }
0x8c: {  	s14 =	sshll.u32 s0, $0xA;
	s2 =	sadd.s32 s3, s2  }
0x8d: {  	s2 =	sadd.s32 s2, s14  }
0x8e: {  	[smem:$0x3FC7] =	sst s2  }
0x8f: {  	_ = 	snop  }
0x90: {  	s2 =	sld [smem:$0x3FD0];
	_ =	sdelay $0x2  }
0x91: {  	s15 =	simm.s32 $0xA;
	s4 =	simm.s32 $0x10  }
0x92: {  	[smem:s4], [sflag:s15] =	dma.local [hbm:s2], $0x1  }
0x93: {  	_ =	swait.eq [sflag:s15], $0x1  }
0x94: {  	[sflag:s15] =	ssyncset.done $0x0  }
0x95: {  	[sflag:s15] =	ssyncadd.s32 $0xFFFFFFFF  }
0x96: {  	s16 =	sld [smem:$0x10];
	(tm) =	ssettm $0x1  }
0x97: {  	s17 =	sld [smem:$0x3FFB];
	_ =	sdelay $0x3  }
0x98: {  	_ =	strace s17  }
0x99: {  	s3 =	sld [smem:$0x3FFC];
	_ =	sdelay $0x3  }
0x9a: {  	_ =	strace s3  }
0x9b: {  	s3 =	sld [smem:$0x3FFD];
	_ =	sdelay $0x3  }
0x9c: {  	_ =	strace s3  }
0x9d: {  	_ =	strace $0x8FFFFFFF  }
0x9e: {  	s18 =	sld [smem:$0x3FDB];
	_ =	sdelay $0x1  }
0x9f: {  	s19 =	simm.s32 $_scs_section_size  }
0xa0: {  	s5 =	simm.s32 $_size__tile_overlayer_lowered;
	s6 =	simm.s32 $_tile_overlayer_lowered  }
0xa1: {  	s22 =	simm.s32 $0x1BFF;
	s21 =	sshll.u32 s6, $0x1;
	s3 =	sadd.s32 s19, s18  }
0xa2: {  	s7 =	simm.s32 $0x0;
	s20 =	sshll.u32 s5, $0x1;
	s5 =	sadd.s32 s21, s3  }
0xa3: {  	[timem:s7], [sflag:s22] =	dma.local [hbm:s5], s20  }
0xa4: {  	_ =	swait.ge [sflag:s22], s20  }
0xa5: {  	s4 =	ssub.s32 $0x0, s20;
	[sflag:s22] =	ssyncset.done $0x0  }
0xa6: {  	[sflag:s22] =	ssyncadd.s32 s4;
	_ =	sdelay $0x1  }
0xa7: {  	s23 =	simm.s32 $0x1B8B  }
0xa8: {  	_ =	swait.ge [sflag:s23], $0x1  }
0xa9: {  	[sflag:s23] =	ssyncset.done $0x0  }
0xaa: {  	s25 =	simm.s32 $0x1B8E;
	s24 =	sld [smem:$0x3FFE];
	[sflag:s23] =	ssyncadd.s32 $0xFFFFFFFF  }
0xab: {  	s26 =	simm.s32 $execute0_lowered;
	[smem:$0x3FD2] =	sst s25  }
0xac: {  	s5 =	sshll.u32 s26, $0x1;
	_ =	strace $0x80000046;
	[dreg:$0x1] =	wrdreg $0xFFFFFFFF  }
0xad: {  	s28 =	simm.s32 $_size_execute0_lowered;
	s3 =	sadd.s32 s3, s5;
	[dreg:$0x0] =	wrdreg $0x0  }
0xae: {  	s5 =	sshll.u32 s28, $0x1;
	[dreg:$0x2] =	wrdreg s3  }
0xaf: {  	[dreg:$0x3] =	wrdreg s5  }
0xb0: {  	[dreg:$0x4] =	wrdreg $0xC0  }
0xb1: {  	_ =	task [dreg:s7], $0x5FFFF  }
0xb2: {  	[dreg:$0x1] =	wrdreg $0xFFFFFFFF  }
0xb3: {  	[dreg:$0x0] =	wrdreg $0x60  }
0xb4: {  	[dreg:$0x2] =	wrdreg s24  }
0xb5: {  	[dreg:$0x3] =	wrdreg s16  }
0xb6: {  	[dreg:$0x4] =	wrdreg $0x9  }
0xb7: {  	_ =	task.clear_ibuf [dreg:s7], $0x5FFFF;
	_ =	strace $0x90000046  }
0xb8: {  	s29 =	simm.s32 $0x9;
	_ =	strace $0x80000048  }
0xb9: {  	_ =	swait.ge [sflag:s29], $0x1  }
0xba: {  	[sflag:s29] =	ssyncadd.s32 $0xFFFFFFFF  }
0xbb: {  	_ =	strace $0x90000048  }
0xbc: {  	_ =	sfence  }
0xbd: {  	s30 =	sld [smem:$0x0];
	_ =	sdelay $0x2  }
0xbe: {  	s31 =	sshll.u32 s1, $0xD;
	s1 =	sshrl.u32 s1, $0x2  }
0xbf: {  	s3 =	sand.u32 $0x4000, s31;
	s1 =	sadd.s32 s1, s30  }
0xc0: {  	s0 =	sor.u32 s3, s0;
	s1 =	sshll.u32 s1, $0x11  }
0xc1: {  	s0 =	sor.u32 s1, s0  }
0xc2: {  	s0 =	sadd.s32 $0x8F2B, s0  }
0xc3: {  	[sflag:s0] =	ssyncadd.remote.s32 $0x1  }
0xc4: {  	_ =	sfence.sel $0xFFFF  }
0xc5: {  	[dreg:$0x0] =	wrdreg $0xFFFFFFFF;
	(pc) =	sbr.abs _section_cstart, $3  }
0xc6: {  	[dreg:$0x1] =	wrdreg $0xFFFFFFFF  }
0xc7: {  	_ =	task.clear_ibuf [dreg:s7], $0x2FFFF;
	_ =	strace $0x9FFFFFFF  }
0xc8: {  	(tm) =	ssettm $0x7FFFFFFF  }
0xc9: {  	_ =	shalt  }
tec
execute0_lowered:
.L_overlay_start_1:
0x0: {  	(tag) =	ssettag $0x1  }
0x1: {  	s1 =	stileid.u32  }
0x2: {  	p0 =	sgt.u32 s1, $0x3  }
.Ltmp0:
0x3: {  	_ = 	snop;
	(pc) =	sbr.rel @p0 .LBB2_11-.Ltmp0, $4  }
0x4: {  	s3 =	rddreg [dreg:$0x0]  }
0x5: {  	s4 =	rddreg [dreg:$0x1];
	s2 =	simm.s32 $0x0  }
0x6: {  	[smem:$0x7FF] =	sst s2  }
0x7: {  	s0 =	rddreg [dreg:$0x2];
	_ =	strace $0x80000047  }
0x8: {  	s5 =	srdreg.scid;
	s6 =	sshll.u32 s1, $0x5  }
0x9: {  	s8 =	sadd.s32 $0x400, s3;
	s9 =	simm.s32 $0x8000;
	s10 =	simm.s32 $0x9000  }
.Ltmp1:
0xa: {  	s11 =	simm.s32 $0x8800;
	s5 =	sand.u32 $0x1, s5;
	(pc) =	sbr.rel .LBB2_2-.Ltmp1, $4  }
0xb: {  	s12 =	simm.s32 $0x0;
	s7 =	sshll.u32 s5, $0x4;
	s5 =	ssub.s32 $0x2, s5  }
0xc: {  	s6 =	sor.u32 s7, s6;
	s31 =	sshrl.u32 s5, $0x1;
	s7 =	simm.s32 $0x400  }
0xd: {  	v0 =	vimm.s32 $0x0;
	s3 =	sadd.s32 s4, s6;
	s5 =	ssub.s32 s5, s31;
	s4 =	sadd.s32 s8, s6  }
0xe: {  	v1 =	vimm.s32 $0xFFFFFFFF;
	v2 =	vimm.s32 $0x1;
	v3 =	vlaneseq.u32;
	s6 =	simm.s32 $0x80;
	s8 =	simm.s32 $0x1;
	s5 =	smax.u32 s5, $0x1  }
.LBB2_10:
0xf: {  	s12 =	sadd.s32 $0x1, s12  }
0x10: {  	p0 =	sne.s32 s12, s5  }
.Ltmp2:
0x11: {  	_ = 	snop;
	(pc) =	sbr.rel @!p0 .LBB2_11-.Ltmp2, $4  }
0x12: {  	[hbm4b:s3+s6] =	stream.strided.scatter [tilespmem:s11], [sflag:$0x1], $0x800, s7, s6, $0x38;
	[tilespmem:$0x9080] =	vst v63  }
0x13: {  	_ =	swait.ge [sflag:s8], $0x800  }
0x14: {  	[sflag:s8] =	ssyncset.done $0x0  }
0x15: {  	[sflag:s8] =	ssyncadd.s32 $0xFFFFF800  }
.LBB2_2:
0x16: {  	s13 =	simm.s32 $0x0  }
0x17: {  	[tilespmem:s13], [sflag:$0x1] =	stream.strided.gather [hbm4b:s4+s6], $0x8000, s7, s6, $0x38;
	[tilespmem:$0x9080] =	vst v63  }
0x18: {  	_ =	swait.ge [sflag:s8], $0x8000  }
0x19: {  	[sflag:s8] =	ssyncset.done $0x0  }
0x1a: {  	s14 =	simm.s32 $0x40;
	s15 =	simm.s32 $0x0;
	[sflag:s8] =	ssyncadd.s32 $0xFFFF8000  }
.LBB2_3:
0x1b: {  	p0 =	sne.s32 s14, $0x1FC0;
	[tilespmem:s15+$0x8000] =	vst v0;
	s16 =	smov.u32 s14;
	s14 =	sadd.s32 $0x40, s14  }
.Ltmp3:
0x1c: {  	[tilespmem:s15+$0x8800] =	vst v1;
	(pc) =	sbr.rel @p0 .LBB2_3-.Ltmp3, $2  }
0x1d: {  	_ =	sdelay $0x2  }
0x1e: {  	s15 =	sshra.s32 s16, $0x2  }
.Ltmp4:
0x1f: {  	(pc) =	sbr.rel .LBB2_5-.Ltmp4, $3  }
0x20: {  	_ =	sdelay $0x1  }
0x21: {  	[tilespmem:s15+$0x8000] =	vst v0  }
0x22: {  	[tilespmem:s15+$0x8800] =	vst v1;
	s14 =	simm.s32 $0x0  }
.LBB2_9:
0x23: {  	s14 =	sadd.s32 $0x1, s14  }
0x24: {  	p0 =	sne.s32 s14, $0x800  }
.Ltmp5:
0x25: {  	_ = 	snop;
	(pc) =	sbr.rel @!p0 .LBB2_10-.Ltmp5, $1  }
0x26: {  	_ =	sdelay $0x3  }
.LBB2_5:
0x27: {  	v4 =	vmov s14;
	_ =	sdelay $0x4  }
0x28: {  	v5 =	vld.idx.msk [tilespmem:v4+s9+$0x0], $0xffff;
	_ =	sdelay $0x4  }
0x29: {  	(v2sf) =	vpush v5, $0x0;
	_ =	sdelay $0xe  }
0x2a: {  	s15 =	spop (v2sf)  }
0x2b: {  	p0 =	sne.s32 s15, $0x0  }
.Ltmp6:
0x2c: {  	_ = 	snop;
	(pc) =	sbr.rel @p0 .LBB2_9-.Ltmp6, $1  }
0x2d: {  	_ =	sdelay $0x3  }
0x2e: {  	_ =	sdelay $0x3  }
0x2f: {  	[tilespmem:v4+s9+$0x0] =	vst.idx.msk $0x1, v2  }
0x30: {  	s16 =	simm.s32 $0x1;
	s15 =	simm.s32 $0x1;
	[tilespmem:$0x9000] =	vst v4  }
.LBB2_7:
0x31: {  	s17 =	sadd.s32 $0xFFFFFFFF, s16  }
0x32: {  	v4 =	vmov s17;
	_ =	sdelay $0x4  }
0x33: {  	v4 =	vld.idx.msk [tilespmem:v4+s10+$0x0], $0xffff;
	_ =	sdelay $0x4  }
0x34: {  	(v2sf) =	vpush v4, $0x0;
	_ =	sdelay $0xe  }
0x35: {  	s31 =	spop (v2sf)  }
0x36: {  	s17 =	sshll.u32 s31, $0x4  }
0x37: {  	v4 =	vor.u32 s17, v3;
	_ =	sdelay $0x4  }
0x38: {  	v4 =	vld.idx.msk [tilespmem:v4+s2+$0x0], $0xffff;
	_ =	sdelay $0x7  }
0x39: {  	v5 =	vld.idx.msk [tilespmem:v4+s9+$0x0], $0xffff;
	_ =	sdelay $0x4  }
0x3a: {  	vm0 =	veq.s32 v5, $0x0  }
0x3b: {  	v5 =	vsel vm0, $0x1, v0  }
0x3c: {  	(xrf0) =	vadd.scan.msk.s32 $0xffff, v5;
	_ =	sdelay $0x5  }
0x3d: {  	v5, _, _ =	vpop (xrf0)  }
0x3e: {  	(v2sf) =	vpush v5, $0xF;
	_ =	sdelay $0xe  }
0x3f: {  	s17 =	ssub.s32 $0x8, s15;
	s18 =	spop (v2sf)  }
0x40: {  	p0 =	slt.s32 s18, s17  }
0x41: {  	v6 =	vmov s15;
	vm1 =	vle.s32 v5, s17;
	s17 =	smov.u32 @p0 s18  }
0x42: {  	v6 =	vadd.s32 $0xFFFFFFFF, v6;
	s15 =	sadd.s32 s15, s17  }
0x43: {  	v6 =	vbroadcast v6, $0x0;
	vm0 =	vmand vm0, vm1;
	p0 =	sge.s32 s16, s15  }
0x44: {  	p1 =	slt.s32 @!p0 s15, $0x8  }
0x45: {  	v5 =	vadd.s32 v5, v6;
	p0 =	por p0, !p1  }
.Ltmp7:
0x46: {  	_ = 	snop;
	(pc) =	sbr.rel @!p0 .LBB2_7-.Ltmp7, $3  }
0x47: {  	_ =	sdelay $0x1  }
0x48: {  	[tilespmem:v4+s9+$0x0] =	vst.idx.msk vm0, v2  }
0x49: {  	[tilespmem:v5+s10+$0x0] =	vst.idx.msk vm0, v4;
	s16 =	sadd.s32 $0x1, s16  }
0x4a: {  	p0 =	slt.s32 s15, $0x3  }
0x4b: {  	v4 =	vld @!p0 [tilespmem:$0x9000]  }
0x4c: {  	v5 =	vmov @!p0 s15;
	v6 =	vlaneseq.u32 @!p0  }
0x4d: {  	vm0 =	vgt.s32 @!p0 v5, v6;
	_ =	sdelay $0x1  }
.Ltmp8:
0x4e: {  	_ = 	snop;
	(pc) =	sbr.rel .LBB2_9-.Ltmp8, $4  }
0x4f: {  	_ = 	snop  }
0x50: {  	s15 =	sadd.s32 @!p0 $0x1, s13  }
0x51: {  	s16 =	simm.s32 @!p0 $0x8800;
	v5 =	vmov @!p0 s13;
	s15 =	smov.u32 @p0 s13  }
0x52: {  	s13 =	smov.u32 s15;
	[tilespmem:v4+s16+$0x0] =	vst.idx.msk @!p0 vm0, v5  }
.LBB2_11:
0x53: {  	_ =	sfence.sel $0x180000  }
0x54: {  	[bflag:$0x0] =	sbarrier.arrive $0xFFFF  }
0x55: {  	p0 =	sne.s32 s1, $0x0;
	_ =	strace $0x90000047  }
0x56: {  	s0 =	sadd.s32 @!p0 $0x100000, s0;
	[bflag:$0x2] =	sbarrier.arrive $0xFFFF  }
0x57: {  	[sflag:s0] =	ssyncadd.tile.s32 @!p0 $0x1;
	_ =	shalt  }
.Lfunc_end2:
_tile_overlayer_lowered:
.L_overlay_start_2:
0x58: {  	(tag) =	ssettag $0x2  }
0x59: {  	s0 =	rddreg [dreg:$0x0];
	s2 =	stileid.u32  }
0x5a: {  	s1 =	rddreg [dreg:$0x1];
	p0 =	sne.s32 s2, $0x0  }
0x5b: {  	s3 =	rddreg [dreg:$0x2];
	[bflag:$0x3] =	sbarrier.arrive $0xFFFF;
	s2 =	simm.s32 @!p0 $0x1C01  }
0x5c: {  	[timem:s3], [sflag:s2] =	dma.local @!p0 [hbm:s0], s1  }
0x5d: {  	s0 =	simm.s32 @!p0 $0x1  }
0x5e: {  	_ =	swait.ge @!p0 [sflag:s0], s1  }
0x5f: {  	s1 =	ssub.s32 @!p0 $0x0, s1;
	[sflag:s0] =	ssyncset.done @!p0 $0x0  }
0x60: {  	[sflag:s0] =	ssyncadd.s32 @!p0 s1  }
0x61: {  	[bflag:$0x3] =	sbarrier.arrive $0xFFFF  }
0x62: {  	_ =	shalt  }

</sc_bundles>
